<compile_context>
chip_gen: v7x
topology: tpu7x:2x2x1
jax: 0.10.2.dev20260603
libtpu: 0.0.44.dev20260713+nightly
codegen_flags: <defaults>
</compile_context>

<pallas_src>
import functools

import jax
import jax.numpy as jnp
from jax import lax
from jax.experimental import pallas as pl
from jax.experimental.pallas import tpu as pltpu
from jax.experimental.pallas import tpu_sc as plsc

_M = 2048
_N = 8192
_NC, _NS, _L = 2, 16, 16
_ROWS_PER_W = _M // _NS
_BUF_ROWS = 8
_CHUNKS = _ROWS_PER_W // _BUF_ROWS


def _tc_body(x_ref, w_ref, b_ref, lt_ref, vals_ref):
    pre = jax.lax.dot_general(
        x_ref[...], w_ref[...],
        (((1,), (1,)), ((), ())),
        preferred_element_type=jnp.float32,
    )
    thr = jnp.exp(lt_ref[...])
    vals_ref[...] = ((pre + b_ref[...]) > thr).astype(jnp.float32)


@functools.partial(
    pl.kernel,
    out_type=jax.ShapeDtypeStruct((_M, _N), jnp.int32),
    mesh=plsc.VectorSubcoreMesh(core_axis_name="c", subcore_axis_name="s"),
    scratch_types=[
        pltpu.VMEM((_BUF_ROWS, _N), jnp.int32),
        pltpu.SemaphoreType.DMA,
    ],
)
def _sc_indices(out_hbm, buf, sem):
    sid = lax.axis_index("s")
    cid = lax.axis_index("c")

    def fill(ii, carry):
        i = ii & (_N // _L - 1)
        vec = lax.iota(jnp.int32, _L) + i * _L
        for r in range(_BUF_ROWS):
            buf[r, pl.ds(i * _L, _L)] = vec
        return carry

    lax.fori_loop(0, 4 * (_N // _L), fill, 0)

    @pl.when(cid == 0)
    def _():
        base = sid * _ROWS_PER_W
        handles = [
            pltpu.async_copy(
                buf, out_hbm.at[pl.ds(base + c * _BUF_ROWS, _BUF_ROWS)], sem)
            for c in range(_CHUNKS)
        ]
        for h in handles:
            h.wait()


def kernel(x, W_enc, b_enc, log_threshold, k):
    M, D = x.shape
    N = W_enc.shape[0]
    BM, BN = 2048, 512

    b2 = b_enc.reshape(1, N)
    lt2 = log_threshold.reshape(1, N)

    values = pl.pallas_call(
        _tc_body,
        grid=(M // BM, N // BN),
        in_specs=[
            pl.BlockSpec((BM, D), lambda i, j: (i, 0)),
            pl.BlockSpec((BN, D), lambda i, j: (j, 0)),
            pl.BlockSpec((1, BN), lambda i, j: (0, j)),
            pl.BlockSpec((1, BN), lambda i, j: (0, j)),
        ],
        out_specs=pl.BlockSpec((BM, BN), lambda i, j: (i, j)),
        out_shape=jax.ShapeDtypeStruct((M, N), jnp.float32),
        compiler_params=pltpu.CompilerParams(
            dimension_semantics=("parallel", "parallel")),
    )(x, W_enc, b2, lt2)

    indices = _sc_indices()
    return (values, indices)

# --- scband reference (transcript-rebuilt; emitter-appended) ---
"""Pipeline reference for scband-ffflinear-27874337751164 (READ-ONLY COPY).

The authoritative reference and input builder live on the scoring server;
editing this copy changes nothing except your own understanding.
"""

import jax, jax.numpy as jnp
import numpy as np

D_IN = 2048
NUM_LATENTS = 8192
N_TOKENS = 2048


def setup_inputs(seed: int = 0) -> dict:
    key = jax.random.key(seed)
    k1, k2, k3 = jax.random.split(key, 3)
    x = jax.random.normal(k1, (N_TOKENS, D_IN), dtype=jnp.float32)
    # nn.Linear(d_in, num_latents) parameters: weight [num_latents, d_in], bias [num_latents]
    bound = 1.0 / np.sqrt(D_IN)
    W_enc = jax.random.uniform(k2, (NUM_LATENTS, D_IN), dtype=jnp.float32, minval=-bound, maxval=bound)
    b_enc = jax.random.uniform(k3, (NUM_LATENTS,), dtype=jnp.float32, minval=-bound, maxval=bound)
    # self.threshold = log(0.004) per latent (cfg.ste=True)
    log_threshold = jnp.log(jnp.full((NUM_LATENTS,), 0.004, dtype=jnp.float32))
    return {"x": x, "W_enc": W_enc, "b_enc": b_enc, "log_threshold": log_threshold, "k": 8}


def reference(x, W_enc, b_enc, log_threshold, k):
    # FFFLinear.topk with cfg.ste=True -> DenseBinaryEncode path:
    # preacts = x @ W_enc.T + b_enc ; values = (preacts > exp(log_threshold)).float()
    preacts = x @ W_enc.T + b_enc
    threshold = jnp.exp(log_threshold)
    values = (preacts > threshold).astype(jnp.float32)
    indices = jnp.broadcast_to(
        jnp.arange(NUM_LATENTS, dtype=jnp.int32)[None, :],
        (x.shape[0], NUM_LATENTS),
    )
    return (values, indices)

if __name__ == "__main__":
    import jax
    _d = setup_inputs()
    print(jax.jit(kernel)(*tuple(_d.values())))

</pallas_src>

<mosaic_0001>
#map = affine_map<(d0, d1) -> (0, 0)>
module attributes {stable_mosaic.version = 14 : i64} {
  func.func @_sc_indices(%arg0: i32, %arg1: i32, %arg2: memref<2048x8192xi32, #tpu.memory_space<hbm>>, %arg3: memref<8x8192xi32, #tpu.memory_space<vmem>>, %arg4: memref<!tpu.dma_semaphore, #tpu.memory_space<semaphore_mem>>) attributes {dimension_semantics = [#tpu.dimension_semantics<core_parallel>, #tpu.dimension_semantics<subcore_parallel>], iteration_bounds = array<i64: 2, 16>, scalar_prefetch = 0 : i64, scratch_operands = 2 : i64, tpu.core_type = #tpu.core_type<sc_vector_subcore>, window_params = [{transform_indices = #map}]} {
    %scan3A = arith.constant 0 : i32
    %scan3A_0 = arith.constant 0 : i32
    %scan3A_1 = arith.constant 2048 : i32
    %scan3A_2 = arith.addi %scan3A_0, %scan3A_1 : i32
    %scan3A_3 = arith.constant 1 : i32
    scf.for %scan3A_7 = %scan3A_0 to %scan3A_2 step %scan3A_3  : i32 {
      %and3A = arith.constant 511 : i32
      %and3A_8 = arith.andi %scan3A_7, %and3A : i32
      %iota3A = tpu.iota {dimensions = array<i32: 0>} : vector<16xi32>
      %mul3A = arith.constant 16 : i32
      %mul3A_9 = arith.muli %and3A_8, %mul3A : i32
      %add3A = vector.broadcast %mul3A_9 : i32 to vector<16xi32>
      %add3A_10 = arith.addi %iota3A, %add3A : vector<16xi32>
      %mul3A_11 = arith.constant 16 : i32
      %mul3A_12 = arith.muli %and3A_8, %mul3A_11 : i32
      %swap3A = arith.constant 0 : i32
      %swap3A_13 = arith.index_cast %swap3A : i32 to index
      %swap3A_14 = arith.index_cast %mul3A_12 : i32 to index
      %swap3A_15 = tpu.vector_load %arg3[%swap3A_13, %swap3A_14] {strides = array<i32>} : memref<8x8192xi32, #tpu.memory_space<vmem>>, vector<1x16xi32>,
      %swap3A_16 = vector.shape_cast %swap3A_15 : vector<1x16xi32> to vector<16xi32>
      %swap3A_17 = vector.shape_cast %add3A_10 : vector<16xi32> to vector<1x16xi32>
      tpu.vector_store %arg3[%swap3A_13, %swap3A_14], %swap3A_17 {strides = array<i32>} : memref<8x8192xi32, #tpu.memory_space<vmem>>, vector<1x16xi32>,
      %mul3A_18 = arith.constant 16 : i32
      %mul3A_19 = arith.muli %and3A_8, %mul3A_18 : i32
      %swap3A_20 = arith.constant 1 : i32
      %swap3A_21 = arith.index_cast %swap3A_20 : i32 to index
      %swap3A_22 = arith.index_cast %mul3A_19 : i32 to index
      %swap3A_23 = tpu.vector_load %arg3[%swap3A_21, %swap3A_22] {strides = array<i32>} : memref<8x8192xi32, #tpu.memory_space<vmem>>, vector<1x16xi32>,
      %swap3A_24 = vector.shape_cast %swap3A_23 : vector<1x16xi32> to vector<16xi32>
      %swap3A_25 = vector.shape_cast %add3A_10 : vector<16xi32> to vector<1x16xi32>
      tpu.vector_store %arg3[%swap3A_21, %swap3A_22], %swap3A_25 {strides = array<i32>} : memref<8x8192xi32, #tpu.memory_space<vmem>>, vector<1x16xi32>,
      %mul3A_26 = arith.constant 16 : i32
      %mul3A_27 = arith.muli %and3A_8, %mul3A_26 : i32
      %swap3A_28 = arith.constant 2 : i32
      %swap3A_29 = arith.index_cast %swap3A_28 : i32 to index
      %swap3A_30 = arith.index_cast %mul3A_27 : i32 to index
      %swap3A_31 = tpu.vector_load %arg3[%swap3A_29, %swap3A_30] {strides = array<i32>} : memref<8x8192xi32, #tpu.memory_space<vmem>>, vector<1x16xi32>,
      %swap3A_32 = vector.shape_cast %swap3A_31 : vector<1x16xi32> to vector<16xi32>
      %swap3A_33 = vector.shape_cast %add3A_10 : vector<16xi32> to vector<1x16xi32>
      tpu.vector_store %arg3[%swap3A_29, %swap3A_30], %swap3A_33 {strides = array<i32>} : memref<8x8192xi32, #tpu.memory_space<vmem>>, vector<1x16xi32>,
      %mul3A_34 = arith.constant 16 : i32
      %mul3A_35 = arith.muli %and3A_8, %mul3A_34 : i32
      %swap3A_36 = arith.constant 3 : i32
      %swap3A_37 = arith.index_cast %swap3A_36 : i32 to index
      %swap3A_38 = arith.index_cast %mul3A_35 : i32 to index
      %swap3A_39 = tpu.vector_load %arg3[%swap3A_37, %swap3A_38] {strides = array<i32>} : memref<8x8192xi32, #tpu.memory_space<vmem>>, vector<1x16xi32>,
      %swap3A_40 = vector.shape_cast %swap3A_39 : vector<1x16xi32> to vector<16xi32>
      %swap3A_41 = vector.shape_cast %add3A_10 : vector<16xi32> to vector<1x16xi32>
      tpu.vector_store %arg3[%swap3A_37, %swap3A_38], %swap3A_41 {strides = array<i32>} : memref<8x8192xi32, #tpu.memory_space<vmem>>, vector<1x16xi32>,
      %mul3A_42 = arith.constant 16 : i32
      %mul3A_43 = arith.muli %and3A_8, %mul3A_42 : i32
      %swap3A_44 = arith.constant 4 : i32
      %swap3A_45 = arith.index_cast %swap3A_44 : i32 to index
      %swap3A_46 = arith.index_cast %mul3A_43 : i32 to index
      %swap3A_47 = tpu.vector_load %arg3[%swap3A_45, %swap3A_46] {strides = array<i32>} : memref<8x8192xi32, #tpu.memory_space<vmem>>, vector<1x16xi32>,
      %swap3A_48 = vector.shape_cast %swap3A_47 : vector<1x16xi32> to vector<16xi32>
      %swap3A_49 = vector.shape_cast %add3A_10 : vector<16xi32> to vector<1x16xi32>
      tpu.vector_store %arg3[%swap3A_45, %swap3A_46], %swap3A_49 {strides = array<i32>} : memref<8x8192xi32, #tpu.memory_space<vmem>>, vector<1x16xi32>,
      %mul3A_50 = arith.constant 16 : i32
      %mul3A_51 = arith.muli %and3A_8, %mul3A_50 : i32
      %swap3A_52 = arith.constant 5 : i32
      %swap3A_53 = arith.index_cast %swap3A_52 : i32 to index
      %swap3A_54 = arith.index_cast %mul3A_51 : i32 to index
      %swap3A_55 = tpu.vector_load %arg3[%swap3A_53, %swap3A_54] {strides = array<i32>} : memref<8x8192xi32, #tpu.memory_space<vmem>>, vector<1x16xi32>,
      %swap3A_56 = vector.shape_cast %swap3A_55 : vector<1x16xi32> to vector<16xi32>
      %swap3A_57 = vector.shape_cast %add3A_10 : vector<16xi32> to vector<1x16xi32>
      tpu.vector_store %arg3[%swap3A_53, %swap3A_54], %swap3A_57 {strides = array<i32>} : memref<8x8192xi32, #tpu.memory_space<vmem>>, vector<1x16xi32>,
      %mul3A_58 = arith.constant 16 : i32
      %mul3A_59 = arith.muli %and3A_8, %mul3A_58 : i32
      %swap3A_60 = arith.constant 6 : i32
      %swap3A_61 = arith.index_cast %swap3A_60 : i32 to index
      %swap3A_62 = arith.index_cast %mul3A_59 : i32 to index
      %swap3A_63 = tpu.vector_load %arg3[%swap3A_61, %swap3A_62] {strides = array<i32>} : memref<8x8192xi32, #tpu.memory_space<vmem>>, vector<1x16xi32>,
      %swap3A_64 = vector.shape_cast %swap3A_63 : vector<1x16xi32> to vector<16xi32>
      %swap3A_65 = vector.shape_cast %add3A_10 : vector<16xi32> to vector<1x16xi32>
      tpu.vector_store %arg3[%swap3A_61, %swap3A_62], %swap3A_65 {strides = array<i32>} : memref<8x8192xi32, #tpu.memory_space<vmem>>, vector<1x16xi32>,
      %mul3A_66 = arith.constant 16 : i32
      %mul3A_67 = arith.muli %and3A_8, %mul3A_66 : i32
      %swap3A_68 = arith.constant 7 : i32
      %swap3A_69 = arith.index_cast %swap3A_68 : i32 to index
      %swap3A_70 = arith.index_cast %mul3A_67 : i32 to index
      %swap3A_71 = tpu.vector_load %arg3[%swap3A_69, %swap3A_70] {strides = array<i32>} : memref<8x8192xi32, #tpu.memory_space<vmem>>, vector<1x16xi32>,
      %swap3A_72 = vector.shape_cast %swap3A_71 : vector<1x16xi32> to vector<16xi32>
      %swap3A_73 = vector.shape_cast %add3A_10 : vector<16xi32> to vector<1x16xi32>
      tpu.vector_store %arg3[%swap3A_69, %swap3A_70], %swap3A_73 {strides = array<i32>} : memref<8x8192xi32, #tpu.memory_space<vmem>>, vector<1x16xi32>,
    }
    %scan3A_4 = arith.constant 2048 : i32
    %eq3A = arith.constant 0 : i32
    %eq3A_5 = arith.cmpi eq, %arg0, %eq3A : i32
    %convert_element_type3A = arith.extui %eq3A_5 : i1 to i32
    %cond3A = arith.constant 0 : i32
    %cond3A_6 = arith.cmpi ne, %convert_element_type3A, %cond3A : i32
    scf.if %cond3A_6 {
      %mul3A = arith.constant 128 : i32
      %mul3A_7 = arith.muli %arg1, %mul3A : i32
      %add3A = arith.constant 0 : i32
      %add3A_8 = arith.addi %mul3A_7, %add3A : i32
      %dma_start3A = arith.constant 0 : i32
      %dma_start3A_9 = tpu.memref_slice %arg2[%add3A_8, %dma_start3A] : memref<2048x8192xi32, #tpu.memory_space<hbm>> -> memref<8x8192xi32, #tpu.memory_space<hbm>>
      %dma_start3A_10 = arith.constant 0 : i32
      %dma_start3A_11 = tpu.memref_slice %arg2[%add3A_8, %dma_start3A_10] : memref<2048x8192xi32, #tpu.memory_space<hbm>> -> memref<8x8192xi32, #tpu.memory_space<hbm>>
      tpu.enqueue_dma source(%arg3 : memref<8x8192xi32, #tpu.memory_space<vmem>>) target(%dma_start3A_11 : memref<8x8192xi32, #tpu.memory_space<hbm>>) target_semaphore(%arg4 : memref<!tpu.dma_semaphore, #tpu.memory_space<semaphore_mem>>)
      %add3A_12 = arith.constant 8 : i32
      %add3A_13 = arith.addi %mul3A_7, %add3A_12 : i32
      %dma_start3A_14 = arith.constant 0 : i32
      %dma_start3A_15 = tpu.memref_slice %arg2[%add3A_13, %dma_start3A_14] : memref<2048x8192xi32, #tpu.memory_space<hbm>> -> memref<8x8192xi32, #tpu.memory_space<hbm>>
      %dma_start3A_16 = arith.constant 0 : i32
      %dma_start3A_17 = tpu.memref_slice %arg2[%add3A_13, %dma_start3A_16] : memref<2048x8192xi32, #tpu.memory_space<hbm>> -> memref<8x8192xi32, #tpu.memory_space<hbm>>
      tpu.enqueue_dma source(%arg3 : memref<8x8192xi32, #tpu.memory_space<vmem>>) target(%dma_start3A_17 : memref<8x8192xi32, #tpu.memory_space<hbm>>) target_semaphore(%arg4 : memref<!tpu.dma_semaphore, #tpu.memory_space<semaphore_mem>>)
      %add3A_18 = arith.constant 16 : i32
      %add3A_19 = arith.addi %mul3A_7, %add3A_18 : i32
      %dma_start3A_20 = arith.constant 0 : i32
      %dma_start3A_21 = tpu.memref_slice %arg2[%add3A_19, %dma_start3A_20] : memref<2048x8192xi32, #tpu.memory_space<hbm>> -> memref<8x8192xi32, #tpu.memory_space<hbm>>
      %dma_start3A_22 = arith.constant 0 : i32
      %dma_start3A_23 = tpu.memref_slice %arg2[%add3A_19, %dma_start3A_22] : memref<2048x8192xi32, #tpu.memory_space<hbm>> -> memref<8x8192xi32, #tpu.memory_space<hbm>>
      tpu.enqueue_dma source(%arg3 : memref<8x8192xi32, #tpu.memory_space<vmem>>) target(%dma_start3A_23 : memref<8x8192xi32, #tpu.memory_space<hbm>>) target_semaphore(%arg4 : memref<!tpu.dma_semaphore, #tpu.memory_space<semaphore_mem>>)
      %add3A_24 = arith.constant 24 : i32
      %add3A_25 = arith.addi %mul3A_7, %add3A_24 : i32
      %dma_start3A_26 = arith.constant 0 : i32
      %dma_start3A_27 = tpu.memref_slice %arg2[%add3A_25, %dma_start3A_26] : memref<2048x8192xi32, #tpu.memory_space<hbm>> -> memref<8x8192xi32, #tpu.memory_space<hbm>>
      %dma_start3A_28 = arith.constant 0 : i32
      %dma_start3A_29 = tpu.memref_slice %arg2[%add3A_25, %dma_start3A_28] : memref<2048x8192xi32, #tpu.memory_space<hbm>> -> memref<8x8192xi32, #tpu.memory_space<hbm>>
      tpu.enqueue_dma source(%arg3 : memref<8x8192xi32, #tpu.memory_space<vmem>>) target(%dma_start3A_29 : memref<8x8192xi32, #tpu.memory_space<hbm>>) target_semaphore(%arg4 : memref<!tpu.dma_semaphore, #tpu.memory_space<semaphore_mem>>)
      %add3A_30 = arith.constant 32 : i32
      %add3A_31 = arith.addi %mul3A_7, %add3A_30 : i32
      %dma_start3A_32 = arith.constant 0 : i32
      %dma_start3A_33 = tpu.memref_slice %arg2[%add3A_31, %dma_start3A_32] : memref<2048x8192xi32, #tpu.memory_space<hbm>> -> memref<8x8192xi32, #tpu.memory_space<hbm>>
      %dma_start3A_34 = arith.constant 0 : i32
      %dma_start3A_35 = tpu.memref_slice %arg2[%add3A_31, %dma_start3A_34] : memref<2048x8192xi32, #tpu.memory_space<hbm>> -> memref<8x8192xi32, #tpu.memory_space<hbm>>
      tpu.enqueue_dma source(%arg3 : memref<8x8192xi32, #tpu.memory_space<vmem>>) target(%dma_start3A_35 : memref<8x8192xi32, #tpu.memory_space<hbm>>) target_semaphore(%arg4 : memref<!tpu.dma_semaphore, #tpu.memory_space<semaphore_mem>>)
      %add3A_36 = arith.constant 40 : i32
      %add3A_37 = arith.addi %mul3A_7, %add3A_36 : i32
      %dma_start3A_38 = arith.constant 0 : i32
      %dma_start3A_39 = tpu.memref_slice %arg2[%add3A_37, %dma_start3A_38] : memref<2048x8192xi32, #tpu.memory_space<hbm>> -> memref<8x8192xi32, #tpu.memory_space<hbm>>
      %dma_start3A_40 = arith.constant 0 : i32
      %dma_start3A_41 = tpu.memref_slice %arg2[%add3A_37, %dma_start3A_40] : memref<2048x8192xi32, #tpu.memory_space<hbm>> -> memref<8x8192xi32, #tpu.memory_space<hbm>>
      tpu.enqueue_dma source(%arg3 : memref<8x8192xi32, #tpu.memory_space<vmem>>) target(%dma_start3A_41 : memref<8x8192xi32, #tpu.memory_space<hbm>>) target_semaphore(%arg4 : memref<!tpu.dma_semaphore, #tpu.memory_space<semaphore_mem>>)
      %add3A_42 = arith.constant 48 : i32
      %add3A_43 = arith.addi %mul3A_7, %add3A_42 : i32
      %dma_start3A_44 = arith.constant 0 : i32
      %dma_start3A_45 = tpu.memref_slice %arg2[%add3A_43, %dma_start3A_44] : memref<2048x8192xi32, #tpu.memory_space<hbm>> -> memref<8x8192xi32, #tpu.memory_space<hbm>>
      %dma_start3A_46 = arith.constant 0 : i32
      %dma_start3A_47 = tpu.memref_slice %arg2[%add3A_43, %dma_start3A_46] : memref<2048x8192xi32, #tpu.memory_space<hbm>> -> memref<8x8192xi32, #tpu.memory_space<hbm>>
      tpu.enqueue_dma source(%arg3 : memref<8x8192xi32, #tpu.memory_space<vmem>>) target(%dma_start3A_47 : memref<8x8192xi32, #tpu.memory_space<hbm>>) target_semaphore(%arg4 : memref<!tpu.dma_semaphore, #tpu.memory_space<semaphore_mem>>)
      %add3A_48 = arith.constant 56 : i32
      %add3A_49 = arith.addi %mul3A_7, %add3A_48 : i32
      %dma_start3A_50 = arith.constant 0 : i32
      %dma_start3A_51 = tpu.memref_slice %arg2[%add3A_49, %dma_start3A_50] : memref<2048x8192xi32, #tpu.memory_space<hbm>> -> memref<8x8192xi32, #tpu.memory_space<hbm>>
      %dma_start3A_52 = arith.constant 0 : i32
      %dma_start3A_53 = tpu.memref_slice %arg2[%add3A_49, %dma_start3A_52] : memref<2048x8192xi32, #tpu.memory_space<hbm>> -> memref<8x8192xi32, #tpu.memory_space<hbm>>
      tpu.enqueue_dma source(%arg3 : memref<8x8192xi32, #tpu.memory_space<vmem>>) target(%dma_start3A_53 : memref<8x8192xi32, #tpu.memory_space<hbm>>) target_semaphore(%arg4 : memref<!tpu.dma_semaphore, #tpu.memory_space<semaphore_mem>>)
      %add3A_54 = arith.constant 64 : i32
      %add3A_55 = arith.addi %mul3A_7, %add3A_54 : i32
      %dma_start3A_56 = arith.constant 0 : i32
      %dma_start3A_57 = tpu.memref_slice %arg2[%add3A_55, %dma_start3A_56] : memref<2048x8192xi32, #tpu.memory_space<hbm>> -> memref<8x8192xi32, #tpu.memory_space<hbm>>
      %dma_start3A_58 = arith.constant 0 : i32
      %dma_start3A_59 = tpu.memref_slice %arg2[%add3A_55, %dma_start3A_58] : memref<2048x8192xi32, #tpu.memory_space<hbm>> -> memref<8x8192xi32, #tpu.memory_space<hbm>>
      tpu.enqueue_dma source(%arg3 : memref<8x8192xi32, #tpu.memory_space<vmem>>) target(%dma_start3A_59 : memref<8x8192xi32, #tpu.memory_space<hbm>>) target_semaphore(%arg4 : memref<!tpu.dma_semaphore, #tpu.memory_space<semaphore_mem>>)
      %add3A_60 = arith.constant 72 : i32
      %add3A_61 = arith.addi %mul3A_7, %add3A_60 : i32
      %dma_start3A_62 = arith.constant 0 : i32
      %dma_start3A_63 = tpu.memref_slice %arg2[%add3A_61, %dma_start3A_62] : memref<2048x8192xi32, #tpu.memory_space<hbm>> -> memref<8x8192xi32, #tpu.memory_space<hbm>>
      %dma_start3A_64 = arith.constant 0 : i32
      %dma_start3A_65 = tpu.memref_slice %arg2[%add3A_61, %dma_start3A_64] : memref<2048x8192xi32, #tpu.memory_space<hbm>> -> memref<8x8192xi32, #tpu.memory_space<hbm>>
      tpu.enqueue_dma source(%arg3 : memref<8x8192xi32, #tpu.memory_space<vmem>>) target(%dma_start3A_65 : memref<8x8192xi32, #tpu.memory_space<hbm>>) target_semaphore(%arg4 : memref<!tpu.dma_semaphore, #tpu.memory_space<semaphore_mem>>)
      %add3A_66 = arith.constant 80 : i32
      %add3A_67 = arith.addi %mul3A_7, %add3A_66 : i32
      %dma_start3A_68 = arith.constant 0 : i32
      %dma_start3A_69 = tpu.memref_slice %arg2[%add3A_67, %dma_start3A_68] : memref<2048x8192xi32, #tpu.memory_space<hbm>> -> memref<8x8192xi32, #tpu.memory_space<hbm>>
      %dma_start3A_70 = arith.constant 0 : i32
      %dma_start3A_71 = tpu.memref_slice %arg2[%add3A_67, %dma_start3A_70] : memref<2048x8192xi32, #tpu.memory_space<hbm>> -> memref<8x8192xi32, #tpu.memory_space<hbm>>
      tpu.enqueue_dma source(%arg3 : memref<8x8192xi32, #tpu.memory_space<vmem>>) target(%dma_start3A_71 : memref<8x8192xi32, #tpu.memory_space<hbm>>) target_semaphore(%arg4 : memref<!tpu.dma_semaphore, #tpu.memory_space<semaphore_mem>>)
      %add3A_72 = arith.constant 88 : i32
      %add3A_73 = arith.addi %mul3A_7, %add3A_72 : i32
      %dma_start3A_74 = arith.constant 0 : i32
      %dma_start3A_75 = tpu.memref_slice %arg2[%add3A_73, %dma_start3A_74] : memref<2048x8192xi32, #tpu.memory_space<hbm>> -> memref<8x8192xi32, #tpu.memory_space<hbm>>
      %dma_start3A_76 = arith.constant 0 : i32
      %dma_start3A_77 = tpu.memref_slice %arg2[%add3A_73, %dma_start3A_76] : memref<2048x8192xi32, #tpu.memory_space<hbm>> -> memref<8x8192xi32, #tpu.memory_space<hbm>>
      tpu.enqueue_dma source(%arg3 : memref<8x8192xi32, #tpu.memory_space<vmem>>) target(%dma_start3A_77 : memref<8x8192xi32, #tpu.memory_space<hbm>>) target_semaphore(%arg4 : memref<!tpu.dma_semaphore, #tpu.memory_space<semaphore_mem>>)
      %add3A_78 = arith.constant 96 : i32
      %add3A_79 = arith.addi %mul3A_7, %add3A_78 : i32
      %dma_start3A_80 = arith.constant 0 : i32
      %dma_start3A_81 = tpu.memref_slice %arg2[%add3A_79, %dma_start3A_80] : memref<2048x8192xi32, #tpu.memory_space<hbm>> -> memref<8x8192xi32, #tpu.memory_space<hbm>>
      %dma_start3A_82 = arith.constant 0 : i32
      %dma_start3A_83 = tpu.memref_slice %arg2[%add3A_79, %dma_start3A_82] : memref<2048x8192xi32, #tpu.memory_space<hbm>> -> memref<8x8192xi32, #tpu.memory_space<hbm>>
      tpu.enqueue_dma source(%arg3 : memref<8x8192xi32, #tpu.memory_space<vmem>>) target(%dma_start3A_83 : memref<8x8192xi32, #tpu.memory_space<hbm>>) target_semaphore(%arg4 : memref<!tpu.dma_semaphore, #tpu.memory_space<semaphore_mem>>)
      %add3A_84 = arith.constant 104 : i32
      %add3A_85 = arith.addi %mul3A_7, %add3A_84 : i32
      %dma_start3A_86 = arith.constant 0 : i32
      %dma_start3A_87 = tpu.memref_slice %arg2[%add3A_85, %dma_start3A_86] : memref<2048x8192xi32, #tpu.memory_space<hbm>> -> memref<8x8192xi32, #tpu.memory_space<hbm>>
      %dma_start3A_88 = arith.constant 0 : i32
      %dma_start3A_89 = tpu.memref_slice %arg2[%add3A_85, %dma_start3A_88] : memref<2048x8192xi32, #tpu.memory_space<hbm>> -> memref<8x8192xi32, #tpu.memory_space<hbm>>
      tpu.enqueue_dma source(%arg3 : memref<8x8192xi32, #tpu.memory_space<vmem>>) target(%dma_start3A_89 : memref<8x8192xi32, #tpu.memory_space<hbm>>) target_semaphore(%arg4 : memref<!tpu.dma_semaphore, #tpu.memory_space<semaphore_mem>>)
      %add3A_90 = arith.constant 112 : i32
      %add3A_91 = arith.addi %mul3A_7, %add3A_90 : i32
      %dma_start3A_92 = arith.constant 0 : i32
      %dma_start3A_93 = tpu.memref_slice %arg2[%add3A_91, %dma_start3A_92] : memref<2048x8192xi32, #tpu.memory_space<hbm>> -> memref<8x8192xi32, #tpu.memory_space<hbm>>
      %dma_start3A_94 = arith.constant 0 : i32
      %dma_start3A_95 = tpu.memref_slice %arg2[%add3A_91, %dma_start3A_94] : memref<2048x8192xi32, #tpu.memory_space<hbm>> -> memref<8x8192xi32, #tpu.memory_space<hbm>>
      tpu.enqueue_dma source(%arg3 : memref<8x8192xi32, #tpu.memory_space<vmem>>) target(%dma_start3A_95 : memref<8x8192xi32, #tpu.memory_space<hbm>>) target_semaphore(%arg4 : memref<!tpu.dma_semaphore, #tpu.memory_space<semaphore_mem>>)
      %add3A_96 = arith.constant 120 : i32
      %add3A_97 = arith.addi %mul3A_7, %add3A_96 : i32
      %dma_start3A_98 = arith.constant 0 : i32
      %dma_start3A_99 = tpu.memref_slice %arg2[%add3A_97, %dma_start3A_98] : memref<2048x8192xi32, #tpu.memory_space<hbm>> -> memref<8x8192xi32, #tpu.memory_space<hbm>>
      %dma_start3A_100 = arith.constant 0 : i32
      %dma_start3A_101 = tpu.memref_slice %arg2[%add3A_97, %dma_start3A_100] : memref<2048x8192xi32, #tpu.memory_space<hbm>> -> memref<8x8192xi32, #tpu.memory_space<hbm>>
      tpu.enqueue_dma source(%arg3 : memref<8x8192xi32, #tpu.memory_space<vmem>>) target(%dma_start3A_101 : memref<8x8192xi32, #tpu.memory_space<hbm>>) target_semaphore(%arg4 : memref<!tpu.dma_semaphore, #tpu.memory_space<semaphore_mem>>)
      %dma_wait3A = arith.constant 0 : i32
      %dma_wait3A_102 = tpu.memref_slice %arg2[%add3A_8, %dma_wait3A] : memref<2048x8192xi32, #tpu.memory_space<hbm>> -> memref<8x8192xi32, #tpu.memory_space<hbm>>
      %dma_wait3A_103 = arith.constant 0 : i32
      %dma_wait3A_104 = tpu.memref_slice %arg2[%add3A_8, %dma_wait3A_103] : memref<2048x8192xi32, #tpu.memory_space<hbm>> -> memref<8x8192xi32, #tpu.memory_space<hbm>>
      tpu.wait_dma2 semaphore(%arg4 : memref<!tpu.dma_semaphore, #tpu.memory_space<semaphore_mem>>) src(%arg3 : memref<8x8192xi32, #tpu.memory_space<vmem>>) dst(%dma_wait3A_104 : memref<8x8192xi32, #tpu.memory_space<hbm>>)
      %dma_wait3A_105 = arith.constant 0 : i32
      %dma_wait3A_106 = tpu.memref_slice %arg2[%add3A_13, %dma_wait3A_105] : memref<2048x8192xi32, #tpu.memory_space<hbm>> -> memref<8x8192xi32, #tpu.memory_space<hbm>>
      %dma_wait3A_107 = arith.constant 0 : i32
      %dma_wait3A_108 = tpu.memref_slice %arg2[%add3A_13, %dma_wait3A_107] : memref<2048x8192xi32, #tpu.memory_space<hbm>> -> memref<8x8192xi32, #tpu.memory_space<hbm>>
      tpu.wait_dma2 semaphore(%arg4 : memref<!tpu.dma_semaphore, #tpu.memory_space<semaphore_mem>>) src(%arg3 : memref<8x8192xi32, #tpu.memory_space<vmem>>) dst(%dma_wait3A_108 : memref<8x8192xi32, #tpu.memory_space<hbm>>)
      %dma_wait3A_109 = arith.constant 0 : i32
      %dma_wait3A_110 = tpu.memref_slice %arg2[%add3A_19, %dma_wait3A_109] : memref<2048x8192xi32, #tpu.memory_space<hbm>> -> memref<8x8192xi32, #tpu.memory_space<hbm>>
      %dma_wait3A_111 = arith.constant 0 : i32
      %dma_wait3A_112 = tpu.memref_slice %arg2[%add3A_19, %dma_wait3A_111] : memref<2048x8192xi32, #tpu.memory_space<hbm>> -> memref<8x8192xi32, #tpu.memory_space<hbm>>
      tpu.wait_dma2 semaphore(%arg4 : memref<!tpu.dma_semaphore, #tpu.memory_space<semaphore_mem>>) src(%arg3 : memref<8x8192xi32, #tpu.memory_space<vmem>>) dst(%dma_wait3A_112 : memref<8x8192xi32, #tpu.memory_space<hbm>>)
      %dma_wait3A_113 = arith.constant 0 : i32
      %dma_wait3A_114 = tpu.memref_slice %arg2[%add3A_25, %dma_wait3A_113] : memref<2048x8192xi32, #tpu.memory_space<hbm>> -> memref<8x8192xi32, #tpu.memory_space<hbm>>
      %dma_wait3A_115 = arith.constant 0 : i32
      %dma_wait3A_116 = tpu.memref_slice %arg2[%add3A_25, %dma_wait3A_115] : memref<2048x8192xi32, #tpu.memory_space<hbm>> -> memref<8x8192xi32, #tpu.memory_space<hbm>>
      tpu.wait_dma2 semaphore(%arg4 : memref<!tpu.dma_semaphore, #tpu.memory_space<semaphore_mem>>) src(%arg3 : memref<8x8192xi32, #tpu.memory_space<vmem>>) dst(%dma_wait3A_116 : memref<8x8192xi32, #tpu.memory_space<hbm>>)
      %dma_wait3A_117 = arith.constant 0 : i32
      %dma_wait3A_118 = tpu.memref_slice %arg2[%add3A_31, %dma_wait3A_117] : memref<2048x8192xi32, #tpu.memory_space<hbm>> -> memref<8x8192xi32, #tpu.memory_space<hbm>>
      %dma_wait3A_119 = arith.constant 0 : i32
      %dma_wait3A_120 = tpu.memref_slice %arg2[%add3A_31, %dma_wait3A_119] : memref<2048x8192xi32, #tpu.memory_space<hbm>> -> memref<8x8192xi32, #tpu.memory_space<hbm>>
      tpu.wait_dma2 semaphore(%arg4 : memref<!tpu.dma_semaphore, #tpu.memory_space<semaphore_mem>>) src(%arg3 : memref<8x8192xi32, #tpu.memory_space<vmem>>) dst(%dma_wait3A_120 : memref<8x8192xi32, #tpu.memory_space<hbm>>)
      %dma_wait3A_121 = arith.constant 0 : i32
      %dma_wait3A_122 = tpu.memref_slice %arg2[%add3A_37, %dma_wait3A_121] : memref<2048x8192xi32, #tpu.memory_space<hbm>> -> memref<8x8192xi32, #tpu.memory_space<hbm>>
      %dma_wait3A_123 = arith.constant 0 : i32
      %dma_wait3A_124 = tpu.memref_slice %arg2[%add3A_37, %dma_wait3A_123] : memref<2048x8192xi32, #tpu.memory_space<hbm>> -> memref<8x8192xi32, #tpu.memory_space<hbm>>
      tpu.wait_dma2 semaphore(%arg4 : memref<!tpu.dma_semaphore, #tpu.memory_space<semaphore_mem>>) src(%arg3 : memref<8x8192xi32, #tpu.memory_space<vmem>>) dst(%dma_wait3A_124 : memref<8x8192xi32, #tpu.memory_space<hbm>>)
      %dma_wait3A_125 = arith.constant 0 : i32
      %dma_wait3A_126 = tpu.memref_slice %arg2[%add3A_43, %dma_wait3A_125] : memref<2048x8192xi32, #tpu.memory_space<hbm>> -> memref<8x8192xi32, #tpu.memory_space<hbm>>
      %dma_wait3A_127 = arith.constant 0 : i32
      %dma_wait3A_128 = tpu.memref_slice %arg2[%add3A_43, %dma_wait3A_127] : memref<2048x8192xi32, #tpu.memory_space<hbm>> -> memref<8x8192xi32, #tpu.memory_space<hbm>>
      tpu.wait_dma2 semaphore(%arg4 : memref<!tpu.dma_semaphore, #tpu.memory_space<semaphore_mem>>) src(%arg3 : memref<8x8192xi32, #tpu.memory_space<vmem>>) dst(%dma_wait3A_128 : memref<8x8192xi32, #tpu.memory_space<hbm>>)
      %dma_wait3A_129 = arith.constant 0 : i32
      %dma_wait3A_130 = tpu.memref_slice %arg2[%add3A_49, %dma_wait3A_129] : memref<2048x8192xi32, #tpu.memory_space<hbm>> -> memref<8x8192xi32, #tpu.memory_space<hbm>>
      %dma_wait3A_131 = arith.constant 0 : i32
      %dma_wait3A_132 = tpu.memref_slice %arg2[%add3A_49, %dma_wait3A_131] : memref<2048x8192xi32, #tpu.memory_space<hbm>> -> memref<8x8192xi32, #tpu.memory_space<hbm>>
      tpu.wait_dma2 semaphore(%arg4 : memref<!tpu.dma_semaphore, #tpu.memory_space<semaphore_mem>>) src(%arg3 : memref<8x8192xi32, #tpu.memory_space<vmem>>) dst(%dma_wait3A_132 : memref<8x8192xi32, #tpu.memory_space<hbm>>)
      %dma_wait3A_133 = arith.constant 0 : i32
      %dma_wait3A_134 = tpu.memref_slice %arg2[%add3A_55, %dma_wait3A_133] : memref<2048x8192xi32, #tpu.memory_space<hbm>> -> memref<8x8192xi32, #tpu.memory_space<hbm>>
      %dma_wait3A_135 = arith.constant 0 : i32
      %dma_wait3A_136 = tpu.memref_slice %arg2[%add3A_55, %dma_wait3A_135] : memref<2048x8192xi32, #tpu.memory_space<hbm>> -> memref<8x8192xi32, #tpu.memory_space<hbm>>
      tpu.wait_dma2 semaphore(%arg4 : memref<!tpu.dma_semaphore, #tpu.memory_space<semaphore_mem>>) src(%arg3 : memref<8x8192xi32, #tpu.memory_space<vmem>>) dst(%dma_wait3A_136 : memref<8x8192xi32, #tpu.memory_space<hbm>>)
      %dma_wait3A_137 = arith.constant 0 : i32
      %dma_wait3A_138 = tpu.memref_slice %arg2[%add3A_61, %dma_wait3A_137] : memref<2048x8192xi32, #tpu.memory_space<hbm>> -> memref<8x8192xi32, #tpu.memory_space<hbm>>
      %dma_wait3A_139 = arith.constant 0 : i32
      %dma_wait3A_140 = tpu.memref_slice %arg2[%add3A_61, %dma_wait3A_139] : memref<2048x8192xi32, #tpu.memory_space<hbm>> -> memref<8x8192xi32, #tpu.memory_space<hbm>>
      tpu.wait_dma2 semaphore(%arg4 : memref<!tpu.dma_semaphore, #tpu.memory_space<semaphore_mem>>) src(%arg3 : memref<8x8192xi32, #tpu.memory_space<vmem>>) dst(%dma_wait3A_140 : memref<8x8192xi32, #tpu.memory_space<hbm>>)
      %dma_wait3A_141 = arith.constant 0 : i32
      %dma_wait3A_142 = tpu.memref_slice %arg2[%add3A_67, %dma_wait3A_141] : memref<2048x8192xi32, #tpu.memory_space<hbm>> -> memref<8x8192xi32, #tpu.memory_space<hbm>>
      %dma_wait3A_143 = arith.constant 0 : i32
      %dma_wait3A_144 = tpu.memref_slice %arg2[%add3A_67, %dma_wait3A_143] : memref<2048x8192xi32, #tpu.memory_space<hbm>> -> memref<8x8192xi32, #tpu.memory_space<hbm>>
      tpu.wait_dma2 semaphore(%arg4 : memref<!tpu.dma_semaphore, #tpu.memory_space<semaphore_mem>>) src(%arg3 : memref<8x8192xi32, #tpu.memory_space<vmem>>) dst(%dma_wait3A_144 : memref<8x8192xi32, #tpu.memory_space<hbm>>)
      %dma_wait3A_145 = arith.constant 0 : i32
      %dma_wait3A_146 = tpu.memref_slice %arg2[%add3A_73, %dma_wait3A_145] : memref<2048x8192xi32, #tpu.memory_space<hbm>> -> memref<8x8192xi32, #tpu.memory_space<hbm>>
      %dma_wait3A_147 = arith.constant 0 : i32
      %dma_wait3A_148 = tpu.memref_slice %arg2[%add3A_73, %dma_wait3A_147] : memref<2048x8192xi32, #tpu.memory_space<hbm>> -> memref<8x8192xi32, #tpu.memory_space<hbm>>
      tpu.wait_dma2 semaphore(%arg4 : memref<!tpu.dma_semaphore, #tpu.memory_space<semaphore_mem>>) src(%arg3 : memref<8x8192xi32, #tpu.memory_space<vmem>>) dst(%dma_wait3A_148 : memref<8x8192xi32, #tpu.memory_space<hbm>>)
      %dma_wait3A_149 = arith.constant 0 : i32
      %dma_wait3A_150 = tpu.memref_slice %arg2[%add3A_79, %dma_wait3A_149] : memref<2048x8192xi32, #tpu.memory_space<hbm>> -> memref<8x8192xi32, #tpu.memory_space<hbm>>
      %dma_wait3A_151 = arith.constant 0 : i32
      %dma_wait3A_152 = tpu.memref_slice %arg2[%add3A_79, %dma_wait3A_151] : memref<2048x8192xi32, #tpu.memory_space<hbm>> -> memref<8x8192xi32, #tpu.memory_space<hbm>>
      tpu.wait_dma2 semaphore(%arg4 : memref<!tpu.dma_semaphore, #tpu.memory_space<semaphore_mem>>) src(%arg3 : memref<8x8192xi32, #tpu.memory_space<vmem>>) dst(%dma_wait3A_152 : memref<8x8192xi32, #tpu.memory_space<hbm>>)
      %dma_wait3A_153 = arith.constant 0 : i32
      %dma_wait3A_154 = tpu.memref_slice %arg2[%add3A_85, %dma_wait3A_153] : memref<2048x8192xi32, #tpu.memory_space<hbm>> -> memref<8x8192xi32, #tpu.memory_space<hbm>>
      %dma_wait3A_155 = arith.constant 0 : i32
      %dma_wait3A_156 = tpu.memref_slice %arg2[%add3A_85, %dma_wait3A_155] : memref<2048x8192xi32, #tpu.memory_space<hbm>> -> memref<8x8192xi32, #tpu.memory_space<hbm>>
      tpu.wait_dma2 semaphore(%arg4 : memref<!tpu.dma_semaphore, #tpu.memory_space<semaphore_mem>>) src(%arg3 : memref<8x8192xi32, #tpu.memory_space<vmem>>) dst(%dma_wait3A_156 : memref<8x8192xi32, #tpu.memory_space<hbm>>)
      %dma_wait3A_157 = arith.constant 0 : i32
      %dma_wait3A_158 = tpu.memref_slice %arg2[%add3A_91, %dma_wait3A_157] : memref<2048x8192xi32, #tpu.memory_space<hbm>> -> memref<8x8192xi32, #tpu.memory_space<hbm>>
      %dma_wait3A_159 = arith.constant 0 : i32
      %dma_wait3A_160 = tpu.memref_slice %arg2[%add3A_91, %dma_wait3A_159] : memref<2048x8192xi32, #tpu.memory_space<hbm>> -> memref<8x8192xi32, #tpu.memory_space<hbm>>
      tpu.wait_dma2 semaphore(%arg4 : memref<!tpu.dma_semaphore, #tpu.memory_space<semaphore_mem>>) src(%arg3 : memref<8x8192xi32, #tpu.memory_space<vmem>>) dst(%dma_wait3A_160 : memref<8x8192xi32, #tpu.memory_space<hbm>>)
      %dma_wait3A_161 = arith.constant 0 : i32
      %dma_wait3A_162 = tpu.memref_slice %arg2[%add3A_97, %dma_wait3A_161] : memref<2048x8192xi32, #tpu.memory_space<hbm>> -> memref<8x8192xi32, #tpu.memory_space<hbm>>
      %dma_wait3A_163 = arith.constant 0 : i32
      %dma_wait3A_164 = tpu.memref_slice %arg2[%add3A_97, %dma_wait3A_163] : memref<2048x8192xi32, #tpu.memory_space<hbm>> -> memref<8x8192xi32, #tpu.memory_space<hbm>>
      tpu.wait_dma2 semaphore(%arg4 : memref<!tpu.dma_semaphore, #tpu.memory_space<semaphore_mem>>) src(%arg3 : memref<8x8192xi32, #tpu.memory_space<vmem>>) dst(%dma_wait3A_164 : memref<8x8192xi32, #tpu.memory_space<hbm>>)
    } else {
    }
    return
  }
}

module attributes {stable_mosaic.version = 14 : i64} {
  func.func @_tc_body(%arg0: i32, %arg1: i32, %arg2: memref<2048x2048xf32, #tpu.memory_space<vmem>>, %arg3: memref<512x2048xf32, #tpu.memory_space<vmem>>, %arg4: memref<1x512xf32, #tpu.memory_space<vmem>>, %arg5: memref<1x512xf32, #tpu.memory_space<vmem>>, %arg6: memref<2048x512xf32, #tpu.memory_space<vmem>>) attributes {dimension_semantics = [#tpu.dimension_semantics<parallel>, #tpu.dimension_semantics<parallel>], iteration_bounds = array<i64: 1, 16>, scalar_prefetch = 0 : i64, scratch_operands = 0 : i64, tpu.core_type = #tpu.core_type<tc>, window_params = [{transform_indices = @transform_0, window_bounds = array<i64: 2048, 2048>}, {transform_indices = @transform_1, window_bounds = array<i64: 512, 2048>}, {transform_indices = @transform_2, window_bounds = array<i64: 1, 512>}, {transform_indices = @transform_3, window_bounds = array<i64: 1, 512>}, {transform_indices = @transform_4, window_bounds = array<i64: 2048, 512>}]} {
    %get3A = arith.constant 0 : index
    %get3A_0 = arith.constant 0 : index
    %get3A_1 = vector.load %arg2[%get3A, %get3A_0] : memref<2048x2048xf32, #tpu.memory_space<vmem>>, vector<2048x2048xf32>
    %get3A_2 = arith.constant 0 : index
    %get3A_3 = arith.constant 0 : index
    %get3A_4 = vector.load %arg3[%get3A_2, %get3A_3] : memref<512x2048xf32, #tpu.memory_space<vmem>>, vector<512x2048xf32>
    %dot_general3A = arith.constant dense<0.000000e+00> : vector<2048x512xf32>
    %dot_general3A_5 = tpu.matmul %get3A_1, %get3A_4, %dot_general3A {dimension_numbers = #tpu.dot_dimension_numbers<[1], [1], [0], [0], [0, 0, 1, 0], [], []>, transpose_lhs_hint = false} : vector<2048x2048xf32>, vector<512x2048xf32>, vector<2048x512xf32> -> vector<2048x512xf32>
    %get3A_6 = arith.constant 0 : index
    %get3A_7 = arith.constant 0 : index
    %get3A_8 = vector.load %arg5[%get3A_6, %get3A_7] : memref<1x512xf32, #tpu.memory_space<vmem>>, vector<1x512xf32>
    %exp3A = math.exp %get3A_8 : vector<1x512xf32>
    %get3A_9 = arith.constant 0 : index
    %get3A_10 = arith.constant 0 : index
    %get3A_11 = vector.load %arg4[%get3A_9, %get3A_10] : memref<1x512xf32, #tpu.memory_space<vmem>>, vector<1x512xf32>
    %add3A = vector.broadcast %get3A_11 : vector<1x512xf32> to vector<2048x512xf32>
    %add3A_12 = arith.addf %dot_general3A_5, %add3A : vector<2048x512xf32>
    %gt3A = vector.broadcast %exp3A : vector<1x512xf32> to vector<2048x512xf32>
    %gt3A_13 = arith.cmpf ogt, %add3A_12, %gt3A : vector<2048x512xf32>
    %convert_element_type3A = arith.extui %gt3A_13 : vector<2048x512xi1> to vector<2048x512xi32>
    %convert_element_type3A_14 = arith.sitofp %convert_element_type3A : vector<2048x512xi32> to vector<2048x512xf32>
    %swap3A = arith.constant 0 : index
    %swap3A_15 = arith.constant 0 : index
    %swap3A_16 = vector.load %arg6[%swap3A, %swap3A_15] : memref<2048x512xf32, #tpu.memory_space<vmem>>, vector<2048x512xf32>
    tpu.vector_store %arg6[%swap3A, %swap3A_15], %convert_element_type3A_14 {strides = array<i32>} : memref<2048x512xf32, #tpu.memory_space<vmem>>, vector<2048x512xf32>,
    return
  }
  func.func @transform_0(%arg0: i32, %arg1: i32) -> (i32, i32) {
    %c0_i32 = arith.constant 0 : i32
    %c0_i32_0 = arith.constant 0 : i32
    return %arg0, %c0_i32 : i32, i32
  }
  func.func @transform_1(%arg0: i32, %arg1: i32) -> (i32, i32) {
    %c0_i32 = arith.constant 0 : i32
    %c0_i32_0 = arith.constant 0 : i32
    return %arg1, %c0_i32 : i32, i32
  }
  func.func @transform_2(%arg0: i32, %arg1: i32) -> (i32, i32) {
    %c0_i32 = arith.constant 0 : i32
    %c0_i32_0 = arith.constant 0 : i32
    return %c0_i32, %arg1 : i32, i32
  }
  func.func @transform_3(%arg0: i32, %arg1: i32) -> (i32, i32) {
    %c0_i32 = arith.constant 0 : i32
    %c0_i32_0 = arith.constant 0 : i32
    return %c0_i32, %arg1 : i32, i32
  }
  func.func @transform_4(%arg0: i32, %arg1: i32) -> (i32, i32) {
    %c0_i32 = arith.constant 0 : i32
    return %arg0, %arg1 : i32, i32
  }
}

</mosaic_0001>

<sc_bundles>
// kernel: kernel.4.cloned.1.call-start
scs
__scs_entry_jumppad:
0x0: {  	(pc) =	sbr.rel $0x88, $3  }
0x1: {  	(tag) =	ssettag $0x0;
	lr =	simm.s32 $0x1  }
0x2: {  	[smem:$0x3F9D] =	sst lr;
	_ =	strace $0xD0000000  }
0x3: {  	_ = 	snop  }
0x4: {  	_ = 	snop  }
0x5: {  	_ = 	snop  }
0x6: {  	_ = 	snop  }
0x7: {  	_ = 	snop  }
__scs_overlays_trampoline_lowered:
0x8: {  	[smem:$0x3FAC] =	sst s0  }
0x9: {  	[smem:$0x3FAD] =	sst s1  }
0xa: {  	[smem:$0x3FAE] =	sst s2  }
0xb: {  	[smem:$0x3FAF] =	sst s3  }
0xc: {  	[smem:$0x3FB0] =	sst s4  }
0xd: {  	[smem:$0x3FB1] =	sst s5  }
0xe: {  	[smem:$0x3FB2] =	sst s6  }
0xf: {  	[smem:$0x3FB3] =	sst s7  }
0x10: {  	[smem:$0x3FB4] =	sst s8  }
0x11: {  	[smem:$0x3FB5] =	sst s9;
	s0 =	simm.s32 @!p0 $0x0  }
0x12: {  	s1 =	sld [smem:$0x3F9B];
	s0 =	simm.s32 @p0 $0x1  }
0x13: {  	[smem:$0x3FB6] =	sst s0;
	s0 =	simm.s32 @!p1 $0x0  }
0x14: {  	s2 =	sld [smem:$0x3F9A];
	s0 =	simm.s32 @p1 $0x1  }
0x15: {  	[smem:$0x3FB7] =	sst s0;
	s0 =	simm.s32 @!p2 $0x0  }
0x16: {  	s3 =	sld [smem:$0x3FDB];
	s0 =	simm.s32 @p2 $0x1  }
0x17: {  	s4 =	simm.s32 $0x1BF5;
	[smem:$0x3FB9] =	sst s0  }
0x18: {  	s0 =	sld [smem:$0x3F9C];
	_ =	swait.ge [sflag:s4], $0x0  }
0x19: {  	s7 =	sld [smem:$0x3F9D]  }
0x1a: {  	s8 =	sadd.s32 $0xFFFFE003, lr  }
0x1b: {  	s9 =	sadd.s32 $0xFFFFFEF7, lr;
	s5 =	simm.s32 $0xFFFFFFFF;
	p2 =	slt.u32 s8, $0xFFFFF086  }
0x1c: {  	p1 =	slt.u32 s9, $0xF7A;
	s5 =	simm.s32 @!p2 $0x0  }
0x1d: {  	s5 =	simm.s32 @p1 $0x1;
	p0 =	seq.s32 s7, s2  }
0x1e: {  	s7 =	smul.u32 @!p0 $0xF7A, s2;
	p2 =	seq.s32 @!p0 s5, $0x0  }
0x1f: {  	s9 =	smul.u32 $0xF7A, s1;
	s8 =	simm.s32 @!p0 $0x1BF5;
	p2 =	por !p2, p0  }
0x20: {  	[sflag:s8] =	ssyncset.s32 @!p0 $0xFFFFF086;
	s6 =	sadd.s32 @!p0 s3, s7;
	s7 =	simm.s32 @!p0 $0x108  }
0x21: {  	s3 =	sadd.s32 s3, s9;
	s6 =	sadd.s32 @!p0 $0x88, s6;
	s7 =	simm.s32 @p2 $0x1082  }
0x22: {  	[simem:s7], [sflag:s8] =	dma.local @!p0 [hbm:s6], $0xF7A  }
0x23: {  	s9 =	sor.u32 $0xD0000000, s2;
	s6 =	simm.s32 $0x108;
	_ =	swait.ge @!p0 [sflag:s8], $0x0  }
0x24: {  	s3 =	sadd.s32 $0x88, s3;
	s6 =	simm.s32 @!p1 $0x1082;
	[sflag:s4] =	ssyncset.s32 $0xFFFFF086  }
0x25: {  	[simem:s6], [sflag:s4] =	dma.local [hbm:s3], $0xF7A  }
0x26: {  	[smem:$0x3F9D] =	sst s1;
	(tag) =	ssettag s2;
	_ =	strace s9  }
0x27: {  	s1 =	sld [smem:$0x3FAD]  }
0x28: {  	s2 =	sld [smem:$0x3FAE]  }
0x29: {  	s4 =	sld [smem:$0x3FB0]  }
0x2a: {  	p0 =	seq.s32 s5, $0x0;
	s5 =	sld [smem:$0x3FB1]  }
0x2b: {  	s6 =	sld [smem:$0x3FB2]  }
0x2c: {  	s7 =	sld [smem:$0x3FB3]  }
0x2d: {  	s3 =	simm.s32 $0x108;
	s8 =	sld [smem:$0x3FB4]  }
0x2e: {  	s3 =	simm.s32 @!p0 $0x1082;
	s9 =	sld [smem:$0x3FB5]  }
0x2f: {  	lr =	sadd.s32 s0, s3;
	s0 =	sld [smem:$0x3FAC]  }
0x30: {  	s3 =	sld [smem:$0x3FAF]  }
0x31: {  	[smem:$0x3FB8] =	sst s10  }
0x32: {  	s10 =	sld [smem:$0x3FB6];
	_ =	sdelay $0x3  }
0x33: {  	p0 =	seq.s32 s10, $0x1;
	s10 =	sld [smem:$0x3FB8];
	_ =	sdelay $0x3  }
0x34: {  	[smem:$0x3FB8] =	sst s10  }
0x35: {  	s10 =	sld [smem:$0x3FB7];
	_ =	sdelay $0x3  }
0x36: {  	p1 =	seq.s32 s10, $0x1;
	s10 =	sld [smem:$0x3FB8];
	_ =	sdelay $0x3  }
0x37: {  	[smem:$0x3FB8] =	sst s10  }
0x38: {  	s10 =	sld [smem:$0x3FB9]  }
0x39: {  	_ = 	snop;
	(pc) =	sbr.ind lr, $3  }
0x3a: {  	_ = 	snop  }
0x3b: {  	_ = 	snop  }
0x3c: {  	p2 =	seq.s32 s10, $0x1;
	s10 =	sld [smem:$0x3FB8]  }
0x3d: {  	_ =	shalt  }
0x3e: {  	_ =	shalt  }
0x3f: {  	_ =	shalt  }
0x40: {  	_ =	shalt  }
0x41: {  	_ =	shalt  }
0x42: {  	_ =	shalt  }
0x43: {  	_ =	shalt  }
0x44: {  	_ =	shalt  }
0x45: {  	_ =	shalt  }
0x46: {  	_ =	shalt  }
0x47: {  	_ =	shalt  }
0x48: {  	_ =	shalt  }
0x49: {  	_ =	shalt  }
0x4a: {  	_ =	shalt  }
0x4b: {  	_ =	shalt  }
0x4c: {  	_ =	shalt  }
0x4d: {  	_ =	shalt  }
0x4e: {  	_ =	shalt  }
0x4f: {  	_ =	shalt  }
0x50: {  	_ =	shalt  }
0x51: {  	_ =	shalt  }
0x52: {  	_ =	shalt  }
0x53: {  	_ =	shalt  }
0x54: {  	_ =	shalt  }
0x55: {  	_ =	shalt  }
0x56: {  	_ =	shalt  }
0x57: {  	_ =	shalt  }
0x58: {  	_ =	shalt  }
0x59: {  	_ =	shalt  }
0x5a: {  	_ =	shalt  }
0x5b: {  	_ =	shalt  }
0x5c: {  	_ =	shalt  }
0x5d: {  	_ =	shalt  }
0x5e: {  	_ =	shalt  }
0x5f: {  	_ =	shalt  }
0x60: {  	_ =	shalt  }
0x61: {  	_ =	shalt  }
0x62: {  	_ =	shalt  }
0x63: {  	_ =	shalt  }
0x64: {  	_ =	shalt  }
0x65: {  	_ =	shalt  }
0x66: {  	_ =	shalt  }
0x67: {  	_ =	shalt  }
0x68: {  	_ =	shalt  }
0x69: {  	_ =	shalt  }
0x6a: {  	_ =	shalt  }
0x6b: {  	_ =	shalt  }
0x6c: {  	_ =	shalt  }
0x6d: {  	_ =	shalt  }
0x6e: {  	_ =	shalt  }
0x6f: {  	_ =	shalt  }
0x70: {  	_ =	shalt  }
0x71: {  	_ =	shalt  }
0x72: {  	_ =	shalt  }
0x73: {  	_ =	shalt  }
0x74: {  	_ =	shalt  }
0x75: {  	_ =	shalt  }
0x76: {  	_ =	shalt  }
0x77: {  	_ =	shalt  }
0x78: {  	_ =	shalt  }
0x79: {  	_ =	shalt  }
0x7a: {  	_ =	shalt  }
0x7b: {  	_ =	shalt  }
0x7c: {  	_ =	shalt  }
0x7d: {  	_ =	shalt  }
0x7e: {  	_ =	shalt  }
0x7f: {  	_ =	shalt  }
0x80: {  	_ =	shalt  }
0x81: {  	_ =	shalt  }
0x82: {  	_ =	shalt  }
0x83: {  	_ =	shalt  }
0x84: {  	_ =	shalt  }
0x85: {  	_ =	shalt  }
0x86: {  	_ =	shalt  }
0x87: {  	_ =	shalt  }
.Lfunc_end0:
.L_simem_size_0:
called_computation_lowered:
.L_overlay_start_0:
0x88: {  	s2 =	sld [smem:$0x3FD9]  }
0x89: {  	s3 =	sld [smem:$0x3FFE];
	_ =	sdelay $0x1  }
0x8a: {  	s1 =	srdreg.scid  }
0x8b: {  	s0 =	sand.u32 $0x1, s1  }
0x8c: {  	s15 =	sshll.u32 s0, $0xA;
	s2 =	sadd.s32 s3, s2  }
0x8d: {  	s2 =	sadd.s32 s2, s15  }
0x8e: {  	[smem:$0x3FC4] =	sst s2  }
0x8f: {  	_ = 	snop  }
0x90: {  	s2 =	sld [smem:$0x3FD0];
	_ =	sdelay $0x2  }
0x91: {  	s16 =	simm.s32 $0xA;
	s4 =	simm.s32 $0x10  }
0x92: {  	[smem:s4], [sflag:s16] =	dma.local [hbm:s2], $0x1  }
0x93: {  	_ =	swait.eq [sflag:s16], $0x1  }
0x94: {  	[sflag:s16] =	ssyncset.done $0x0  }
0x95: {  	[sflag:s16] =	ssyncadd.s32 $0xFFFFFFFF  }
0x96: {  	s17 =	sld [smem:$0x11];
	(tm) =	ssettm $0x1  }
0x97: {  	s18 =	sld [smem:$0x3FFB];
	_ =	sdelay $0x3  }
0x98: {  	_ =	strace s18  }
0x99: {  	s3 =	sld [smem:$0x3FFC];
	_ =	sdelay $0x3  }
0x9a: {  	_ =	strace s3  }
0x9b: {  	s3 =	sld [smem:$0x3FFD];
	_ =	sdelay $0x3  }
0x9c: {  	_ =	strace s3  }
0x9d: {  	_ =	strace $0x8FFFFFFF  }
0x9e: {  	s19 =	sld [smem:$0x3FDB];
	_ =	sdelay $0x1  }
0x9f: {  	s20 =	simm.s32 $_scs_section_size  }
0xa0: {  	s5 =	simm.s32 $_size__tile_overlayer_lowered;
	s6 =	simm.s32 $_tile_overlayer_lowered  }
0xa1: {  	s23 =	simm.s32 $0x1BFF;
	s22 =	sshll.u32 s6, $0x1;
	s3 =	sadd.s32 s20, s19  }
0xa2: {  	s7 =	simm.s32 $0x0;
	s21 =	sshll.u32 s5, $0x1;
	s5 =	sadd.s32 s22, s3  }
0xa3: {  	[timem:s7], [sflag:s23] =	dma.local [hbm:s5], s21  }
0xa4: {  	_ =	swait.ge [sflag:s23], s21  }
0xa5: {  	s4 =	ssub.s32 $0x0, s21;
	[sflag:s23] =	ssyncset.done $0x0  }
0xa6: {  	[sflag:s23] =	ssyncadd.s32 s4;
	_ =	sdelay $0x1  }
0xa7: {  	s24 =	simm.s32 $0x1B8B  }
0xa8: {  	_ =	swait.ge [sflag:s24], $0x1  }
0xa9: {  	[sflag:s24] =	ssyncset.done $0x0  }
0xaa: {  	s25 =	simm.s32 $0x1B8E;
	[sflag:s24] =	ssyncadd.s32 $0xFFFFFFFF  }
0xab: {  	s26 =	simm.s32 $execute0_lowered;
	[smem:$0x3FD2] =	sst s25  }
0xac: {  	s4 =	sshll.u32 s26, $0x1;
	_ =	strace $0x80000046;
	[dreg:$0x1] =	wrdreg $0xFFFFFFFF  }
0xad: {  	s28 =	simm.s32 $_size_execute0_lowered;
	s3 =	sadd.s32 s3, s4;
	[dreg:$0x0] =	wrdreg $0x0  }
0xae: {  	s4 =	sshll.u32 s28, $0x1;
	[dreg:$0x2] =	wrdreg s3  }
0xaf: {  	[dreg:$0x3] =	wrdreg s4  }
0xb0: {  	[dreg:$0x4] =	wrdreg $0xC0  }
0xb1: {  	_ =	task [dreg:s7], $0x5FFFF  }
0xb2: {  	[dreg:$0x1] =	wrdreg $0xFFFFFFFF  }
0xb3: {  	[dreg:$0x0] =	wrdreg $0x60  }
0xb4: {  	[dreg:$0x2] =	wrdreg s17  }
0xb5: {  	[dreg:$0x3] =	wrdreg $0x9  }
0xb6: {  	_ =	task.clear_ibuf [dreg:s7], $0x4FFFF;
	_ =	strace $0x90000046  }
0xb7: {  	s29 =	simm.s32 $0x9;
	_ =	strace $0x80000048  }
0xb8: {  	_ =	swait.ge [sflag:s29], $0x1  }
0xb9: {  	[sflag:s29] =	ssyncadd.s32 $0xFFFFFFFF  }
0xba: {  	_ =	strace $0x90000048  }
0xbb: {  	_ =	sfence  }
0xbc: {  	s30 =	sld [smem:$0x0];
	_ =	sdelay $0x2  }
0xbd: {  	s31 =	sshll.u32 s1, $0xD;
	s1 =	sshrl.u32 s1, $0x2  }
0xbe: {  	s3 =	sand.u32 $0x4000, s31;
	s1 =	sadd.s32 s1, s30  }
0xbf: {  	s0 =	sor.u32 s3, s0;
	s1 =	sshll.u32 s1, $0x11  }
0xc0: {  	s0 =	sor.u32 s1, s0  }
0xc1: {  	s0 =	sadd.s32 $0x8F2B, s0  }
0xc2: {  	[sflag:s0] =	ssyncadd.remote.s32 $0x1  }
0xc3: {  	_ =	sfence.sel $0xFFFF  }
0xc4: {  	[dreg:$0x0] =	wrdreg $0xFFFFFFFF;
	(pc) =	sbr.abs _section_cstart, $3  }
0xc5: {  	[dreg:$0x1] =	wrdreg $0xFFFFFFFF  }
0xc6: {  	_ =	task.clear_ibuf [dreg:s7], $0x2FFFF;
	_ =	strace $0x9FFFFFFF  }
0xc7: {  	(tm) =	ssettm $0x7FFFFFFF  }
tec
execute0_lowered:
.L_overlay_start_1:
0x0: {  	(tag) =	ssettag $0x1  }
0x1: {  	s3 =	rddreg [dreg:$0x0]  }
0x2: {  	s2 =	srdreg.scid;
	s0 =	rddreg [dreg:$0x1]  }
0x3: {  	s1 =	stileid.u32;
	s21 =	simm.s32 $0x0;
	s20 =	sand.u32 $0x1, s2  }
0x4: {  	s2 =	simm.s32 $0x0;
	s5 =	sshll.u32 s1, $0x11;
	s4 =	ssub.s32 $0x2, s20  }
0x5: {  	[smem:$0x7FF] =	sst s2;
	s3 =	sadd.s32 s3, s5;
	p0 =	sne.s32 s20, $0x0  }
0x6: {  	s20 =	simm.s32 $0x1;
	s6 =	sshrl.u32 s4, $0x1;
	_ =	strace $0x80000047  }
0x7: {  	s5 =	sadd.s32 $0x4000, s3;
	s7 =	sadd.s32 $0x8000, s3;
	s8 =	sadd.s32 $0xA000, s3  }
.Ltmp0:
0x8: {  	s9 =	sadd.s32 $0xC000, s3;
	s10 =	sadd.s32 $0xE000, s3;
	(pc) =	sbr.rel .LBB2_1-.Ltmp0, $4  }
0x9: {  	s11 =	sadd.s32 $0x10000, s3;
	s12 =	sadd.s32 $0x12000, s3;
	s13 =	sadd.s32 $0x14000, s3  }
0xa: {  	s14 =	sadd.s32 $0x16000, s3;
	s15 =	sadd.s32 $0x18000, s3;
	s16 =	sadd.s32 $0x1A000, s3  }
0xb: {  	s17 =	sadd.s32 $0x1C000, s3;
	s18 =	sadd.s32 $0x1E000, s3;
	s19 =	ssub.s32 s4, s6  }
0xc: {  	v0 =	vlaneseq.u32;
	s4 =	sadd.s32 $0x2000, s3;
	s6 =	sadd.s32 $0x6000, s3;
	s19 =	smax.u32 s19, $0x1  }
.LBB2_5:
0xd: {  	s21 =	sadd.s32 $0x1, s21  }
0xe: {  	p1 =	sne.s32 s21, s19  }
.Ltmp1:
0xf: {  	_ = 	snop;
	(pc) =	sbr.rel @!p1 .LBB2_6-.Ltmp1, $1  }
0x10: {  	_ =	sdelay $0x3  }
.LBB2_1:
0x11: {  	s24 =	sand.u32 $0x1FF0, s2  }
0x12: {  	s22 =	sshll.u32 s24, $0x3  }
0x13: {  	s23 =	sand.u32 $0x70, s2;
	s25 =	sand.u32 $0xFC00, s22  }
0x14: {  	v1 =	vor.u32 s24, v0;
	s24 =	sor.u32 s23, s25  }
0x15: {  	[tilespmem:s24+$0x80] =	vst v1  }
0x16: {  	[tilespmem:s24+$0x100] =	vst v1  }
0x17: {  	[tilespmem:s24+$0x180] =	vst v1  }
0x18: {  	s25 =	simm.s32 $0x10;
	[tilespmem:s24+$0x200] =	vst v1  }
.LBB2_2:
0x19: {  	s26 =	sand.u32 $0x1FF0, s25;
	p1 =	sne.s32 s25, $0x7FF0;
	[tilespmem:s24+$0x280] =	vst v1  }
0x1a: {  	s28 =	sor.u32 s22, s23;
	[tilespmem:s24+$0x300] =	vst v1;
	s22 =	sshll.u32 s26, $0x3  }
0x1b: {  	s23 =	sand.u32 $0x70, s25;
	s28 =	sor.u32 $0x380, s28;
	s29 =	sand.u32 $0xFC00, s22;
	[tilespmem:s24+$0x0] =	vst v1  }
.Ltmp2:
0x1c: {  	s24 =	sor.u32 s23, s29;
	[tilespmem:s28+$0x0] =	vst v1;
	v1 =	vor.u32 s26, v0;
	(pc) =	sbr.rel @p1 .LBB2_2-.Ltmp2, $4  }
0x1d: {  	[tilespmem:s24+$0x80] =	vst v1  }
0x1e: {  	[tilespmem:s24+$0x100] =	vst v1  }
0x1f: {  	[tilespmem:s24+$0x180] =	vst v1  }
0x20: {  	s25 =	sadd.s32 $0x10, s25;
	[tilespmem:s24+$0x200] =	vst v1  }
.Ltmp3:
0x21: {  	(pc) =	sbr.rel @p0 .LBB2_5-.Ltmp3, $4  }
0x22: {  	[tilespmem:s24+$0x280] =	vst v1  }
0x23: {  	[tilespmem:s24+$0x300] =	vst v1;
	s22 =	sor.u32 s22, s23  }
0x24: {  	[tilespmem:s24+$0x0] =	vst v1;
	s22 =	sor.u32 $0x380, s22  }
0x25: {  	[tilespmem:s22+$0x0] =	vst v1  }
0x26: {  	[hbm4b:s3+s2] =	stream.linear.scatter [tilespmem:s2], [sflag:$0x1], $0x10000, $0x38;
	[tilespmem:$0x10000] =	vst v63  }
0x27: {  	_ = 	snop  }
0x28: {  	[hbm4b:s4+s2] =	stream.linear.scatter [tilespmem:s2], [sflag:$0x1], $0x10000, $0x38;
	[tilespmem:$0x10000] =	vst v63  }
0x29: {  	_ = 	snop  }
0x2a: {  	[hbm4b:s5+s2] =	stream.linear.scatter [tilespmem:s2], [sflag:$0x1], $0x10000, $0x38;
	[tilespmem:$0x10000] =	vst v63  }
0x2b: {  	_ = 	snop  }
0x2c: {  	[hbm4b:s6+s2] =	stream.linear.scatter [tilespmem:s2], [sflag:$0x1], $0x10000, $0x38;
	[tilespmem:$0x10000] =	vst v63  }
0x2d: {  	_ = 	snop  }
0x2e: {  	[hbm4b:s7+s2] =	stream.linear.scatter [tilespmem:s2], [sflag:$0x1], $0x10000, $0x38;
	[tilespmem:$0x10000] =	vst v63  }
0x2f: {  	_ = 	snop  }
0x30: {  	[hbm4b:s8+s2] =	stream.linear.scatter [tilespmem:s2], [sflag:$0x1], $0x10000, $0x38;
	[tilespmem:$0x10000] =	vst v63  }
0x31: {  	_ = 	snop  }
0x32: {  	[hbm4b:s9+s2] =	stream.linear.scatter [tilespmem:s2], [sflag:$0x1], $0x10000, $0x38;
	[tilespmem:$0x10000] =	vst v63  }
0x33: {  	_ = 	snop  }
0x34: {  	[hbm4b:s10+s2] =	stream.linear.scatter [tilespmem:s2], [sflag:$0x1], $0x10000, $0x38;
	[tilespmem:$0x10000] =	vst v63  }
0x35: {  	_ = 	snop  }
0x36: {  	[hbm4b:s11+s2] =	stream.linear.scatter [tilespmem:s2], [sflag:$0x1], $0x10000, $0x38;
	[tilespmem:$0x10000] =	vst v63  }
0x37: {  	_ = 	snop  }
0x38: {  	[hbm4b:s12+s2] =	stream.linear.scatter [tilespmem:s2], [sflag:$0x1], $0x10000, $0x38;
	[tilespmem:$0x10000] =	vst v63  }
0x39: {  	_ = 	snop  }
0x3a: {  	[hbm4b:s13+s2] =	stream.linear.scatter [tilespmem:s2], [sflag:$0x1], $0x10000, $0x38;
	[tilespmem:$0x10000] =	vst v63  }
0x3b: {  	_ = 	snop  }
0x3c: {  	[hbm4b:s14+s2] =	stream.linear.scatter [tilespmem:s2], [sflag:$0x1], $0x10000, $0x38;
	[tilespmem:$0x10000] =	vst v63  }
0x3d: {  	_ = 	snop  }
0x3e: {  	[hbm4b:s15+s2] =	stream.linear.scatter [tilespmem:s2], [sflag:$0x1], $0x10000, $0x38;
	[tilespmem:$0x10000] =	vst v63  }
0x3f: {  	_ = 	snop  }
0x40: {  	[hbm4b:s16+s2] =	stream.linear.scatter [tilespmem:s2], [sflag:$0x1], $0x10000, $0x38;
	[tilespmem:$0x10000] =	vst v63  }
0x41: {  	_ = 	snop  }
0x42: {  	[hbm4b:s17+s2] =	stream.linear.scatter [tilespmem:s2], [sflag:$0x1], $0x10000, $0x38;
	[tilespmem:$0x10000] =	vst v63  }
0x43: {  	_ = 	snop  }
0x44: {  	[hbm4b:s18+s2] =	stream.linear.scatter [tilespmem:s2], [sflag:$0x1], $0x10000, $0x38;
	[tilespmem:$0x10000] =	vst v63  }
0x45: {  	_ =	swait.ge [sflag:s20], $0x10000  }
0x46: {  	[sflag:s20] =	ssyncset.done $0x0  }
0x47: {  	[sflag:s20] =	ssyncadd.s32 $0xFFFF0000  }
0x48: {  	_ =	swait.ge [sflag:s20], $0x10000  }
0x49: {  	[sflag:s20] =	ssyncset.done $0x0  }
0x4a: {  	[sflag:s20] =	ssyncadd.s32 $0xFFFF0000  }
0x4b: {  	_ =	swait.ge [sflag:s20], $0x10000  }
0x4c: {  	[sflag:s20] =	ssyncset.done $0x0  }
0x4d: {  	[sflag:s20] =	ssyncadd.s32 $0xFFFF0000  }
0x4e: {  	_ =	swait.ge [sflag:s20], $0x10000  }
0x4f: {  	[sflag:s20] =	ssyncset.done $0x0  }
0x50: {  	[sflag:s20] =	ssyncadd.s32 $0xFFFF0000  }
0x51: {  	_ =	swait.ge [sflag:s20], $0x10000  }
0x52: {  	[sflag:s20] =	ssyncset.done $0x0  }
0x53: {  	[sflag:s20] =	ssyncadd.s32 $0xFFFF0000  }
0x54: {  	_ =	swait.ge [sflag:s20], $0x10000  }
0x55: {  	[sflag:s20] =	ssyncset.done $0x0  }
0x56: {  	[sflag:s20] =	ssyncadd.s32 $0xFFFF0000  }
0x57: {  	_ =	swait.ge [sflag:s20], $0x10000  }
0x58: {  	[sflag:s20] =	ssyncset.done $0x0  }
0x59: {  	[sflag:s20] =	ssyncadd.s32 $0xFFFF0000  }
0x5a: {  	_ =	swait.ge [sflag:s20], $0x10000  }
0x5b: {  	[sflag:s20] =	ssyncset.done $0x0  }
0x5c: {  	[sflag:s20] =	ssyncadd.s32 $0xFFFF0000  }
0x5d: {  	_ =	swait.ge [sflag:s20], $0x10000  }
0x5e: {  	[sflag:s20] =	ssyncset.done $0x0  }
0x5f: {  	[sflag:s20] =	ssyncadd.s32 $0xFFFF0000  }
0x60: {  	_ =	swait.ge [sflag:s20], $0x10000  }
0x61: {  	[sflag:s20] =	ssyncset.done $0x0  }
0x62: {  	[sflag:s20] =	ssyncadd.s32 $0xFFFF0000  }
0x63: {  	_ =	swait.ge [sflag:s20], $0x10000  }
0x64: {  	[sflag:s20] =	ssyncset.done $0x0  }
0x65: {  	[sflag:s20] =	ssyncadd.s32 $0xFFFF0000  }
0x66: {  	_ =	swait.ge [sflag:s20], $0x10000  }
0x67: {  	[sflag:s20] =	ssyncset.done $0x0  }
0x68: {  	[sflag:s20] =	ssyncadd.s32 $0xFFFF0000  }
0x69: {  	_ =	swait.ge [sflag:s20], $0x10000  }
0x6a: {  	[sflag:s20] =	ssyncset.done $0x0  }
0x6b: {  	[sflag:s20] =	ssyncadd.s32 $0xFFFF0000  }
0x6c: {  	_ =	swait.ge [sflag:s20], $0x10000  }
0x6d: {  	[sflag:s20] =	ssyncset.done $0x0  }
0x6e: {  	[sflag:s20] =	ssyncadd.s32 $0xFFFF0000  }
0x6f: {  	_ =	swait.ge [sflag:s20], $0x10000  }
.Ltmp4:
0x70: {  	[sflag:s20] =	ssyncset.done $0x0;
	(pc) =	sbr.rel .LBB2_5-.Ltmp4, $4  }
0x71: {  	[sflag:s20] =	ssyncadd.s32 $0xFFFF0000  }
0x72: {  	_ =	swait.ge [sflag:s20], $0x10000  }
0x73: {  	[sflag:s20] =	ssyncset.done $0x0  }
0x74: {  	[sflag:s20] =	ssyncadd.s32 $0xFFFF0000  }
.LBB2_6:
0x75: {  	_ =	sfence.sel $0x180000  }
0x76: {  	[bflag:$0x0] =	sbarrier.arrive $0xFFFF  }
0x77: {  	p0 =	sne.s32 s1, $0x0;
	_ =	strace $0x90000047  }
0x78: {  	s0 =	sadd.s32 @!p0 $0x100000, s0;
	[bflag:$0x2] =	sbarrier.arrive $0xFFFF  }
0x79: {  	[sflag:s0] =	ssyncadd.tile.s32 @!p0 $0x1;
	_ =	shalt  }
.Lfunc_end2:
_tile_overlayer_lowered:
.L_overlay_start_2:
0x7a: {  	(tag) =	ssettag $0x2  }
0x7b: {  	s0 =	rddreg [dreg:$0x0];
	s2 =	stileid.u32  }
0x7c: {  	s1 =	rddreg [dreg:$0x1];
	p0 =	sne.s32 s2, $0x0  }
0x7d: {  	s3 =	rddreg [dreg:$0x2];
	[bflag:$0x3] =	sbarrier.arrive $0xFFFF;
	s2 =	simm.s32 @!p0 $0x1C02  }
0x7e: {  	[timem:s3], [sflag:s2] =	dma.local @!p0 [hbm:s0], s1  }
0x7f: {  	s0 =	simm.s32 @!p0 $0x2  }
0x80: {  	_ =	swait.ge @!p0 [sflag:s0], s1  }
0x81: {  	s1 =	ssub.s32 @!p0 $0x0, s1;
	[sflag:s0] =	ssyncset.done @!p0 $0x0  }
0x82: {  	[sflag:s0] =	ssyncadd.s32 @!p0 s1  }
0x83: {  	[bflag:$0x3] =	sbarrier.arrive $0xFFFF  }
0x84: {  	_ =	shalt  }

</sc_bundles>
